<compile_context>
chip_gen: v7x
topology: tpu7x:2x2x1
jax: 0.10.2.dev20260603
libtpu: 0.0.44.dev20260713+nightly
codegen_flags: <defaults>
</compile_context>

<pallas_src>
import functools

import jax
import jax.numpy as jnp
from jax import lax
from jax.experimental import pallas as pl
from jax.experimental.pallas import tpu as pltpu
from jax.experimental.pallas import tpu_sc as plsc

_B, _N = 16, 20000
_RB = 8
_NC = 2


@functools.cache
def _build_labels_sc():
    mesh = plsc.VectorSubcoreMesh(core_axis_name="c", subcore_axis_name="s")

    @functools.partial(
        pl.kernel,
        mesh=mesh,
        out_type=jax.ShapeDtypeStruct((_B, _N), jnp.int32),
        compiler_params=pltpu.CompilerParams(needs_layout_passes=False),
    )
    def _labels_copy(labels_hbm, labels_out_hbm):
        wid = lax.axis_index("s") * _NC + lax.axis_index("c")

        @pl.when(wid < 2)
        def _copy():
            lrow = pl.multiple_of(wid * 8, 8)
            pltpu.sync_copy(
                labels_hbm.at[pl.ds(lrow, 8), :],
                labels_out_hbm.at[pl.ds(lrow, 8), :],
            )

    return _labels_copy


def _resize_block(t_ref, o_ref):
    for r in range(_RB):
        buf = t_ref[r]
        x1 = buf[0:1, :]
        x2 = buf[1:2, :]
        y1 = buf[2:3, :]
        y2 = buf[3:4, :]
        cx = jnp.floor((x1 + x2) * jnp.float32(0.5))
        cy = jnp.floor((y1 + y2) * jnp.float32(0.5))
        o_ref[r, 0:1, :] = cx - jnp.float32(16.0)
        o_ref[r, 1:2, :] = cx + jnp.float32(16.0)
        o_ref[r, 2:3, :] = cy - jnp.float32(16.0)
        o_ref[r, 3:4, :] = cy + jnp.float32(16.0)


def kernel(boxes, labels):
    t = jnp.transpose(boxes, (0, 2, 1))
    out_t = pl.pallas_call(
        _resize_block,
        grid=(_B // _RB,),
        in_specs=[pl.BlockSpec((_RB, 4, _N), lambda i: (i, 0, 0))],
        out_specs=pl.BlockSpec((_RB, 4, _N), lambda i: (i, 0, 0)),
        out_shape=jax.ShapeDtypeStruct((_B, 4, _N), jnp.float32),
        compiler_params=pltpu.CompilerParams(
            dimension_semantics=("parallel",)
        ),
    )(t)
    resized = jnp.transpose(out_t, (0, 2, 1))
    labels_out = _build_labels_sc()(labels)
    return (resized, labels_out)

# --- scband reference (transcript-rebuilt; emitter-appended) ---
"""Pipeline reference for scband-resize-boxes-73701638800215 (READ-ONLY COPY).

The authoritative reference and input builder live on the scoring server;
editing this copy changes nothing except your own understanding.
"""

import jax, jax.numpy as jnp
import numpy as np

TARGET_SIZE = jnp.array([32.0, 32.0], dtype=jnp.float32)


def setup_inputs(seed: int = 0) -> dict:
    key = jax.random.key(seed)
    k1, k2 = jax.random.split(key)
    # boxes stored interleaved as [x1, x2, y1, y2]; scale uniform to pixel range
    boxes = jax.random.uniform(k1, (16, 20000, 4), dtype=jnp.float32) * 512.0
    labels = jax.random.randint(k2, (16, 20000), 0, 80, dtype=jnp.int32)
    return {"boxes": boxes, "labels": labels}


def _tobbox(centroids, new_size):
    # backend.tobbox: build axis-aligned boxes of size new_size around centroids,
    # interleaved back as [x1, x2, y1, y2]
    half = new_size / 2.0
    mins = centroids - half
    maxs = centroids + half
    return jnp.stack([mins[:, 0], maxs[:, 0], mins[:, 1], maxs[:, 1]], axis=1)


def reference(boxes, labels):
    # mode='all': resize every box (map_fn over batch -> vmap)
    def _resizeAll(b):
        # b: [N, 4]; 0::2 -> [x1, y1], 1::2 -> [x2, y2]
        centroids = jnp.floor((b[:, 1::2] + b[:, 0::2]) / 2.0)  # // floor-div
        return _tobbox(centroids, TARGET_SIZE)

    resized = jax.vmap(_resizeAll)(boxes)
    return (resized, labels)

if __name__ == "__main__":
    import jax
    _d = setup_inputs()
    print(jax.jit(kernel)(*tuple(_d.values())))

</pallas_src>

<mosaic_0001>
#map = affine_map<(d0, d1) -> (0, 0)>
module attributes {stable_mosaic.version = 14 : i64} {
  func.func @_labels_copy(%arg0: i32, %arg1: i32, %arg2: memref<16x20000xi32, #tpu.memory_space<hbm>>, %arg3: memref<16x20000xi32, #tpu.memory_space<hbm>>) attributes {dimension_semantics = [#tpu.dimension_semantics<core_parallel>, #tpu.dimension_semantics<subcore_parallel>], iteration_bounds = array<i64: 2, 16>, scalar_prefetch = 0 : i64, scratch_operands = 0 : i64, tpu.core_type = #tpu.core_type<sc_vector_subcore>, window_params = [{transform_indices = #map}, {transform_indices = #map}]} {
    %mul3A = arith.constant 2 : i32
    %mul3A_0 = arith.muli %arg1, %mul3A : i32
    %add3A = arith.addi %mul3A_0, %arg0 : i32
    %lt3A = arith.constant 2 : i32
    %lt3A_1 = arith.cmpi slt, %add3A, %lt3A : i32
    %convert_element_type3A = arith.extui %lt3A_1 : i1 to i32
    %cond3A = arith.constant 0 : i32
    %cond3A_2 = arith.cmpi ne, %convert_element_type3A, %cond3A : i32
    scf.if %cond3A_2 {
      %mul3A_3 = arith.constant 8 : i32
      %mul3A_4 = arith.muli %add3A, %mul3A_3 : i32
      %multiple_of3A = tpu.assume_multiple %mul3A_4, 8 : i32
      "tpu.region"() ({
        %run_scoped3A = tpu.sem_alloc : memref<!tpu.dma_semaphore, #tpu.memory_space<semaphore_mem>>
        %dma_start3A = arith.constant 0 : i32
        %dma_start3A_5 = tpu.memref_slice %arg3[%multiple_of3A, %dma_start3A] : memref<16x20000xi32, #tpu.memory_space<hbm>> -> memref<8x20000xi32, #tpu.memory_space<hbm>>
        %dma_start3A_6 = arith.constant 0 : i32
        %dma_start3A_7 = tpu.memref_slice %arg2[%multiple_of3A, %dma_start3A_6] : memref<16x20000xi32, #tpu.memory_space<hbm>> -> memref<8x20000xi32, #tpu.memory_space<hbm>>
        tpu.enqueue_dma source(%dma_start3A_7 : memref<8x20000xi32, #tpu.memory_space<hbm>>) target(%dma_start3A_5 : memref<8x20000xi32, #tpu.memory_space<hbm>>) target_semaphore(%run_scoped3A : memref<!tpu.dma_semaphore, #tpu.memory_space<semaphore_mem>>)
        %dma_wait3A = arith.constant 0 : i32
        %dma_wait3A_8 = tpu.memref_slice %arg3[%multiple_of3A, %dma_wait3A] : memref<16x20000xi32, #tpu.memory_space<hbm>> -> memref<8x20000xi32, #tpu.memory_space<hbm>>
        %dma_wait3A_9 = arith.constant 0 : i32
        %dma_wait3A_10 = tpu.memref_slice %arg2[%multiple_of3A, %dma_wait3A_9] : memref<16x20000xi32, #tpu.memory_space<hbm>> -> memref<8x20000xi32, #tpu.memory_space<hbm>>
        tpu.wait_dma2 semaphore(%run_scoped3A : memref<!tpu.dma_semaphore, #tpu.memory_space<semaphore_mem>>) src(%dma_wait3A_10 : memref<8x20000xi32, #tpu.memory_space<hbm>>) dst(%dma_wait3A_8 : memref<8x20000xi32, #tpu.memory_space<hbm>>)
        tpu.yield
      }) : () -> ()
    } else {
    }
    return
  }
}

module attributes {stable_mosaic.version = 14 : i64} {
  func.func @_resize_block(%arg0: i32, %arg1: memref<8x4x20000xf32, #tpu.memory_space<vmem>>, %arg2: memref<8x4x20000xf32, #tpu.memory_space<vmem>>) attributes {dimension_semantics = [#tpu.dimension_semantics<parallel>], iteration_bounds = array<i64: 2>, scalar_prefetch = 0 : i64, scratch_operands = 0 : i64, tpu.core_type = #tpu.core_type<tc>, window_params = [{transform_indices = @transform_0, window_bounds = array<i64: 8, 4, 20000>}, {transform_indices = @transform_1, window_bounds = array<i64: 8, 4, 20000>}]} {
    %get3A = arith.constant 0 : index
    %get3A_0 = arith.constant 0 : index
    %get3A_1 = arith.constant 0 : index
    %get3A_2 = vector.load %arg1[%get3A, %get3A_0, %get3A_1] : memref<8x4x20000xf32, #tpu.memory_space<vmem>>, vector<1x4x20000xf32>
    %get3A_3 = vector.shape_cast %get3A_2 : vector<1x4x20000xf32> to vector<4x20000xf32>
    %slice3A = vector.extract_strided_slice %get3A_3 {offsets = [0, 0], sizes = [1, 20000], strides = [1, 1]} : vector<4x20000xf32> to vector<1x20000xf32>
    %slice3A_4 = vector.extract_strided_slice %get3A_3 {offsets = [1, 0], sizes = [1, 20000], strides = [1, 1]} : vector<4x20000xf32> to vector<1x20000xf32>
    %slice3A_5 = vector.extract_strided_slice %get3A_3 {offsets = [2, 0], sizes = [1, 20000], strides = [1, 1]} : vector<4x20000xf32> to vector<1x20000xf32>
    %slice3A_6 = vector.extract_strided_slice %get3A_3 {offsets = [3, 0], sizes = [1, 20000], strides = [1, 1]} : vector<4x20000xf32> to vector<1x20000xf32>
    %add3A = arith.addf %slice3A, %slice3A_4 : vector<1x20000xf32>
    %mul3A = arith.constant 5.000000e-01 : f32
    %mul3A_7 = vector.broadcast %mul3A : f32 to vector<1x20000xf32>
    %mul3A_8 = arith.mulf %add3A, %mul3A_7 : vector<1x20000xf32>
    %floor3A = math.floor %mul3A_8 : vector<1x20000xf32>
    %add3A_9 = arith.addf %slice3A_5, %slice3A_6 : vector<1x20000xf32>
    %mul3A_10 = arith.constant 5.000000e-01 : f32
    %mul3A_11 = vector.broadcast %mul3A_10 : f32 to vector<1x20000xf32>
    %mul3A_12 = arith.mulf %add3A_9, %mul3A_11 : vector<1x20000xf32>
    %floor3A_13 = math.floor %mul3A_12 : vector<1x20000xf32>
    %sub3A = arith.constant 1.600000e+01 : f32
    %sub3A_14 = vector.broadcast %sub3A : f32 to vector<1x20000xf32>
    %sub3A_15 = arith.subf %floor3A, %sub3A_14 : vector<1x20000xf32>
    %swap3A = arith.constant 0 : index
    %swap3A_16 = arith.constant 0 : index
    %swap3A_17 = arith.constant 0 : index
    %swap3A_18 = vector.load %arg2[%swap3A, %swap3A_16, %swap3A_17] : memref<8x4x20000xf32, #tpu.memory_space<vmem>>, vector<1x1x20000xf32>
    %swap3A_19 = vector.shape_cast %swap3A_18 : vector<1x1x20000xf32> to vector<1x20000xf32>
    %swap3A_20 = vector.shape_cast %sub3A_15 : vector<1x20000xf32> to vector<1x1x20000xf32>
    tpu.vector_store %arg2[%swap3A, %swap3A_16, %swap3A_17], %swap3A_20 {strides = array<i32>} : memref<8x4x20000xf32, #tpu.memory_space<vmem>>, vector<1x1x20000xf32>,
    %add3A_21 = arith.constant 1.600000e+01 : f32
    %add3A_22 = vector.broadcast %add3A_21 : f32 to vector<1x20000xf32>
    %add3A_23 = arith.addf %floor3A, %add3A_22 : vector<1x20000xf32>
    %swap3A_24 = arith.constant 0 : index
    %swap3A_25 = arith.constant 1 : index
    %swap3A_26 = arith.constant 0 : index
    %swap3A_27 = vector.load %arg2[%swap3A_24, %swap3A_25, %swap3A_26] : memref<8x4x20000xf32, #tpu.memory_space<vmem>>, vector<1x1x20000xf32>
    %swap3A_28 = vector.shape_cast %swap3A_27 : vector<1x1x20000xf32> to vector<1x20000xf32>
    %swap3A_29 = vector.shape_cast %add3A_23 : vector<1x20000xf32> to vector<1x1x20000xf32>
    tpu.vector_store %arg2[%swap3A_24, %swap3A_25, %swap3A_26], %swap3A_29 {strides = array<i32>} : memref<8x4x20000xf32, #tpu.memory_space<vmem>>, vector<1x1x20000xf32>,
    %sub3A_30 = arith.constant 1.600000e+01 : f32
    %sub3A_31 = vector.broadcast %sub3A_30 : f32 to vector<1x20000xf32>
    %sub3A_32 = arith.subf %floor3A_13, %sub3A_31 : vector<1x20000xf32>
    %swap3A_33 = arith.constant 0 : index
    %swap3A_34 = arith.constant 2 : index
    %swap3A_35 = arith.constant 0 : index
    %swap3A_36 = vector.load %arg2[%swap3A_33, %swap3A_34, %swap3A_35] : memref<8x4x20000xf32, #tpu.memory_space<vmem>>, vector<1x1x20000xf32>
    %swap3A_37 = vector.shape_cast %swap3A_36 : vector<1x1x20000xf32> to vector<1x20000xf32>
    %swap3A_38 = vector.shape_cast %sub3A_32 : vector<1x20000xf32> to vector<1x1x20000xf32>
    tpu.vector_store %arg2[%swap3A_33, %swap3A_34, %swap3A_35], %swap3A_38 {strides = array<i32>} : memref<8x4x20000xf32, #tpu.memory_space<vmem>>, vector<1x1x20000xf32>,
    %add3A_39 = arith.constant 1.600000e+01 : f32
    %add3A_40 = vector.broadcast %add3A_39 : f32 to vector<1x20000xf32>
    %add3A_41 = arith.addf %floor3A_13, %add3A_40 : vector<1x20000xf32>
    %swap3A_42 = arith.constant 0 : index
    %swap3A_43 = arith.constant 3 : index
    %swap3A_44 = arith.constant 0 : index
    %swap3A_45 = vector.load %arg2[%swap3A_42, %swap3A_43, %swap3A_44] : memref<8x4x20000xf32, #tpu.memory_space<vmem>>, vector<1x1x20000xf32>
    %swap3A_46 = vector.shape_cast %swap3A_45 : vector<1x1x20000xf32> to vector<1x20000xf32>
    %swap3A_47 = vector.shape_cast %add3A_41 : vector<1x20000xf32> to vector<1x1x20000xf32>
    tpu.vector_store %arg2[%swap3A_42, %swap3A_43, %swap3A_44], %swap3A_47 {strides = array<i32>} : memref<8x4x20000xf32, #tpu.memory_space<vmem>>, vector<1x1x20000xf32>,
    %get3A_48 = arith.constant 1 : index
    %get3A_49 = arith.constant 0 : index
    %get3A_50 = arith.constant 0 : index
    %get3A_51 = vector.load %arg1[%get3A_48, %get3A_49, %get3A_50] : memref<8x4x20000xf32, #tpu.memory_space<vmem>>, vector<1x4x20000xf32>
    %get3A_52 = vector.shape_cast %get3A_51 : vector<1x4x20000xf32> to vector<4x20000xf32>
    %slice3A_53 = vector.extract_strided_slice %get3A_52 {offsets = [0, 0], sizes = [1, 20000], strides = [1, 1]} : vector<4x20000xf32> to vector<1x20000xf32>
    %slice3A_54 = vector.extract_strided_slice %get3A_52 {offsets = [1, 0], sizes = [1, 20000], strides = [1, 1]} : vector<4x20000xf32> to vector<1x20000xf32>
    %slice3A_55 = vector.extract_strided_slice %get3A_52 {offsets = [2, 0], sizes = [1, 20000], strides = [1, 1]} : vector<4x20000xf32> to vector<1x20000xf32>
    %slice3A_56 = vector.extract_strided_slice %get3A_52 {offsets = [3, 0], sizes = [1, 20000], strides = [1, 1]} : vector<4x20000xf32> to vector<1x20000xf32>
    %add3A_57 = arith.addf %slice3A_53, %slice3A_54 : vector<1x20000xf32>
    %mul3A_58 = arith.constant 5.000000e-01 : f32
    %mul3A_59 = vector.broadcast %mul3A_58 : f32 to vector<1x20000xf32>
    %mul3A_60 = arith.mulf %add3A_57, %mul3A_59 : vector<1x20000xf32>
    %floor3A_61 = math.floor %mul3A_60 : vector<1x20000xf32>
    %add3A_62 = arith.addf %slice3A_55, %slice3A_56 : vector<1x20000xf32>
    %mul3A_63 = arith.constant 5.000000e-01 : f32
    %mul3A_64 = vector.broadcast %mul3A_63 : f32 to vector<1x20000xf32>
    %mul3A_65 = arith.mulf %add3A_62, %mul3A_64 : vector<1x20000xf32>
    %floor3A_66 = math.floor %mul3A_65 : vector<1x20000xf32>
    %sub3A_67 = arith.constant 1.600000e+01 : f32
    %sub3A_68 = vector.broadcast %sub3A_67 : f32 to vector<1x20000xf32>
    %sub3A_69 = arith.subf %floor3A_61, %sub3A_68 : vector<1x20000xf32>
    %swap3A_70 = arith.constant 1 : index
    %swap3A_71 = arith.constant 0 : index
    %swap3A_72 = arith.constant 0 : index
    %swap3A_73 = vector.load %arg2[%swap3A_70, %swap3A_71, %swap3A_72] : memref<8x4x20000xf32, #tpu.memory_space<vmem>>, vector<1x1x20000xf32>
    %swap3A_74 = vector.shape_cast %swap3A_73 : vector<1x1x20000xf32> to vector<1x20000xf32>
    %swap3A_75 = vector.shape_cast %sub3A_69 : vector<1x20000xf32> to vector<1x1x20000xf32>
    tpu.vector_store %arg2[%swap3A_70, %swap3A_71, %swap3A_72], %swap3A_75 {strides = array<i32>} : memref<8x4x20000xf32, #tpu.memory_space<vmem>>, vector<1x1x20000xf32>,
    %add3A_76 = arith.constant 1.600000e+01 : f32
    %add3A_77 = vector.broadcast %add3A_76 : f32 to vector<1x20000xf32>
    %add3A_78 = arith.addf %floor3A_61, %add3A_77 : vector<1x20000xf32>
    %swap3A_79 = arith.constant 1 : index
    %swap3A_80 = arith.constant 1 : index
    %swap3A_81 = arith.constant 0 : index
    %swap3A_82 = vector.load %arg2[%swap3A_79, %swap3A_80, %swap3A_81] : memref<8x4x20000xf32, #tpu.memory_space<vmem>>, vector<1x1x20000xf32>
    %swap3A_83 = vector.shape_cast %swap3A_82 : vector<1x1x20000xf32> to vector<1x20000xf32>
    %swap3A_84 = vector.shape_cast %add3A_78 : vector<1x20000xf32> to vector<1x1x20000xf32>
    tpu.vector_store %arg2[%swap3A_79, %swap3A_80, %swap3A_81], %swap3A_84 {strides = array<i32>} : memref<8x4x20000xf32, #tpu.memory_space<vmem>>, vector<1x1x20000xf32>,
    %sub3A_85 = arith.constant 1.600000e+01 : f32
    %sub3A_86 = vector.broadcast %sub3A_85 : f32 to vector<1x20000xf32>
    %sub3A_87 = arith.subf %floor3A_66, %sub3A_86 : vector<1x20000xf32>
    %swap3A_88 = arith.constant 1 : index
    %swap3A_89 = arith.constant 2 : index
    %swap3A_90 = arith.constant 0 : index
    %swap3A_91 = vector.load %arg2[%swap3A_88, %swap3A_89, %swap3A_90] : memref<8x4x20000xf32, #tpu.memory_space<vmem>>, vector<1x1x20000xf32>
    %swap3A_92 = vector.shape_cast %swap3A_91 : vector<1x1x20000xf32> to vector<1x20000xf32>
    %swap3A_93 = vector.shape_cast %sub3A_87 : vector<1x20000xf32> to vector<1x1x20000xf32>
    tpu.vector_store %arg2[%swap3A_88, %swap3A_89, %swap3A_90], %swap3A_93 {strides = array<i32>} : memref<8x4x20000xf32, #tpu.memory_space<vmem>>, vector<1x1x20000xf32>,
    %add3A_94 = arith.constant 1.600000e+01 : f32
    %add3A_95 = vector.broadcast %add3A_94 : f32 to vector<1x20000xf32>
    %add3A_96 = arith.addf %floor3A_66, %add3A_95 : vector<1x20000xf32>
    %swap3A_97 = arith.constant 1 : index
    %swap3A_98 = arith.constant 3 : index
    %swap3A_99 = arith.constant 0 : index
    %swap3A_100 = vector.load %arg2[%swap3A_97, %swap3A_98, %swap3A_99] : memref<8x4x20000xf32, #tpu.memory_space<vmem>>, vector<1x1x20000xf32>
    %swap3A_101 = vector.shape_cast %swap3A_100 : vector<1x1x20000xf32> to vector<1x20000xf32>
    %swap3A_102 = vector.shape_cast %add3A_96 : vector<1x20000xf32> to vector<1x1x20000xf32>
    tpu.vector_store %arg2[%swap3A_97, %swap3A_98, %swap3A_99], %swap3A_102 {strides = array<i32>} : memref<8x4x20000xf32, #tpu.memory_space<vmem>>, vector<1x1x20000xf32>,
    %get3A_103 = arith.constant 2 : index
    %get3A_104 = arith.constant 0 : index
    %get3A_105 = arith.constant 0 : index
    %get3A_106 = vector.load %arg1[%get3A_103, %get3A_104, %get3A_105] : memref<8x4x20000xf32, #tpu.memory_space<vmem>>, vector<1x4x20000xf32>
    %get3A_107 = vector.shape_cast %get3A_106 : vector<1x4x20000xf32> to vector<4x20000xf32>
    %slice3A_108 = vector.extract_strided_slice %get3A_107 {offsets = [0, 0], sizes = [1, 20000], strides = [1, 1]} : vector<4x20000xf32> to vector<1x20000xf32>
    %slice3A_109 = vector.extract_strided_slice %get3A_107 {offsets = [1, 0], sizes = [1, 20000], strides = [1, 1]} : vector<4x20000xf32> to vector<1x20000xf32>
    %slice3A_110 = vector.extract_strided_slice %get3A_107 {offsets = [2, 0], sizes = [1, 20000], strides = [1, 1]} : vector<4x20000xf32> to vector<1x20000xf32>
    %slice3A_111 = vector.extract_strided_slice %get3A_107 {offsets = [3, 0], sizes = [1, 20000], strides = [1, 1]} : vector<4x20000xf32> to vector<1x20000xf32>
    %add3A_112 = arith.addf %slice3A_108, %slice3A_109 : vector<1x20000xf32>
    %mul3A_113 = arith.constant 5.000000e-01 : f32
    %mul3A_114 = vector.broadcast %mul3A_113 : f32 to vector<1x20000xf32>
    %mul3A_115 = arith.mulf %add3A_112, %mul3A_114 : vector<1x20000xf32>
    %floor3A_116 = math.floor %mul3A_115 : vector<1x20000xf32>
    %add3A_117 = arith.addf %slice3A_110, %slice3A_111 : vector<1x20000xf32>
    %mul3A_118 = arith.constant 5.000000e-01 : f32
    %mul3A_119 = vector.broadcast %mul3A_118 : f32 to vector<1x20000xf32>
    %mul3A_120 = arith.mulf %add3A_117, %mul3A_119 : vector<1x20000xf32>
    %floor3A_121 = math.floor %mul3A_120 : vector<1x20000xf32>
    %sub3A_122 = arith.constant 1.600000e+01 : f32
    %sub3A_123 = vector.broadcast %sub3A_122 : f32 to vector<1x20000xf32>
    %sub3A_124 = arith.subf %floor3A_116, %sub3A_123 : vector<1x20000xf32>
    %swap3A_125 = arith.constant 2 : index
    %swap3A_126 = arith.constant 0 : index
    %swap3A_127 = arith.constant 0 : index
    %swap3A_128 = vector.load %arg2[%swap3A_125, %swap3A_126, %swap3A_127] : memref<8x4x20000xf32, #tpu.memory_space<vmem>>, vector<1x1x20000xf32>
    %swap3A_129 = vector.shape_cast %swap3A_128 : vector<1x1x20000xf32> to vector<1x20000xf32>
    %swap3A_130 = vector.shape_cast %sub3A_124 : vector<1x20000xf32> to vector<1x1x20000xf32>
    tpu.vector_store %arg2[%swap3A_125, %swap3A_126, %swap3A_127], %swap3A_130 {strides = array<i32>} : memref<8x4x20000xf32, #tpu.memory_space<vmem>>, vector<1x1x20000xf32>,
    %add3A_131 = arith.constant 1.600000e+01 : f32
    %add3A_132 = vector.broadcast %add3A_131 : f32 to vector<1x20000xf32>
    %add3A_133 = arith.addf %floor3A_116, %add3A_132 : vector<1x20000xf32>
    %swap3A_134 = arith.constant 2 : index
    %swap3A_135 = arith.constant 1 : index
    %swap3A_136 = arith.constant 0 : index
    %swap3A_137 = vector.load %arg2[%swap3A_134, %swap3A_135, %swap3A_136] : memref<8x4x20000xf32, #tpu.memory_space<vmem>>, vector<1x1x20000xf32>
    %swap3A_138 = vector.shape_cast %swap3A_137 : vector<1x1x20000xf32> to vector<1x20000xf32>
    %swap3A_139 = vector.shape_cast %add3A_133 : vector<1x20000xf32> to vector<1x1x20000xf32>
    tpu.vector_store %arg2[%swap3A_134, %swap3A_135, %swap3A_136], %swap3A_139 {strides = array<i32>} : memref<8x4x20000xf32, #tpu.memory_space<vmem>>, vector<1x1x20000xf32>,
    %sub3A_140 = arith.constant 1.600000e+01 : f32
    %sub3A_141 = vector.broadcast %sub3A_140 : f32 to vector<1x20000xf32>
    %sub3A_142 = arith.subf %floor3A_121, %sub3A_141 : vector<1x20000xf32>
    %swap3A_143 = arith.constant 2 : index
    %swap3A_144 = arith.constant 2 : index
    %swap3A_145 = arith.constant 0 : index
    %swap3A_146 = vector.load %arg2[%swap3A_143, %swap3A_144, %swap3A_145] : memref<8x4x20000xf32, #tpu.memory_space<vmem>>, vector<1x1x20000xf32>
    %swap3A_147 = vector.shape_cast %swap3A_146 : vector<1x1x20000xf32> to vector<1x20000xf32>
    %swap3A_148 = vector.shape_cast %sub3A_142 : vector<1x20000xf32> to vector<1x1x20000xf32>
    tpu.vector_store %arg2[%swap3A_143, %swap3A_144, %swap3A_145], %swap3A_148 {strides = array<i32>} : memref<8x4x20000xf32, #tpu.memory_space<vmem>>, vector<1x1x20000xf32>,
    %add3A_149 = arith.constant 1.600000e+01 : f32
    %add3A_150 = vector.broadcast %add3A_149 : f32 to vector<1x20000xf32>
    %add3A_151 = arith.addf %floor3A_121, %add3A_150 : vector<1x20000xf32>
    %swap3A_152 = arith.constant 2 : index
    %swap3A_153 = arith.constant 3 : index
    %swap3A_154 = arith.constant 0 : index
    %swap3A_155 = vector.load %arg2[%swap3A_152, %swap3A_153, %swap3A_154] : memref<8x4x20000xf32, #tpu.memory_space<vmem>>, vector<1x1x20000xf32>
    %swap3A_156 = vector.shape_cast %swap3A_155 : vector<1x1x20000xf32> to vector<1x20000xf32>
    %swap3A_157 = vector.shape_cast %add3A_151 : vector<1x20000xf32> to vector<1x1x20000xf32>
    tpu.vector_store %arg2[%swap3A_152, %swap3A_153, %swap3A_154], %swap3A_157 {strides = array<i32>} : memref<8x4x20000xf32, #tpu.memory_space<vmem>>, vector<1x1x20000xf32>,
    %get3A_158 = arith.constant 3 : index
    %get3A_159 = arith.constant 0 : index
    %get3A_160 = arith.constant 0 : index
    %get3A_161 = vector.load %arg1[%get3A_158, %get3A_159, %get3A_160] : memref<8x4x20000xf32, #tpu.memory_space<vmem>>, vector<1x4x20000xf32>
    %get3A_162 = vector.shape_cast %get3A_161 : vector<1x4x20000xf32> to vector<4x20000xf32>
    %slice3A_163 = vector.extract_strided_slice %get3A_162 {offsets = [0, 0], sizes = [1, 20000], strides = [1, 1]} : vector<4x20000xf32> to vector<1x20000xf32>
    %slice3A_164 = vector.extract_strided_slice %get3A_162 {offsets = [1, 0], sizes = [1, 20000], strides = [1, 1]} : vector<4x20000xf32> to vector<1x20000xf32>
    %slice3A_165 = vector.extract_strided_slice %get3A_162 {offsets = [2, 0], sizes = [1, 20000], strides = [1, 1]} : vector<4x20000xf32> to vector<1x20000xf32>
    %slice3A_166 = vector.extract_strided_slice %get3A_162 {offsets = [3, 0], sizes = [1, 20000], strides = [1, 1]} : vector<4x20000xf32> to vector<1x20000xf32>
    %add3A_167 = arith.addf %slice3A_163, %slice3A_164 : vector<1x20000xf32>
    %mul3A_168 = arith.constant 5.000000e-01 : f32
    %mul3A_169 = vector.broadcast %mul3A_168 : f32 to vector<1x20000xf32>
    %mul3A_170 = arith.mulf %add3A_167, %mul3A_169 : vector<1x20000xf32>
    %floor3A_171 = math.floor %mul3A_170 : vector<1x20000xf32>
    %add3A_172 = arith.addf %slice3A_165, %slice3A_166 : vector<1x20000xf32>
    %mul3A_173 = arith.constant 5.000000e-01 : f32
    %mul3A_174 = vector.broadcast %mul3A_173 : f32 to vector<1x20000xf32>
    %mul3A_175 = arith.mulf %add3A_172, %mul3A_174 : vector<1x20000xf32>
    %floor3A_176 = math.floor %mul3A_175 : vector<1x20000xf32>
    %sub3A_177 = arith.constant 1.600000e+01 : f32
    %sub3A_178 = vector.broadcast %sub3A_177 : f32 to vector<1x20000xf32>
    %sub3A_179 = arith.subf %floor3A_171, %sub3A_178 : vector<1x20000xf32>
    %swap3A_180 = arith.constant 3 : index
    %swap3A_181 = arith.constant 0 : index
    %swap3A_182 = arith.constant 0 : index
    %swap3A_183 = vector.load %arg2[%swap3A_180, %swap3A_181, %swap3A_182] : memref<8x4x20000xf32, #tpu.memory_space<vmem>>, vector<1x1x20000xf32>
    %swap3A_184 = vector.shape_cast %swap3A_183 : vector<1x1x20000xf32> to vector<1x20000xf32>
    %swap3A_185 = vector.shape_cast %sub3A_179 : vector<1x20000xf32> to vector<1x1x20000xf32>
    tpu.vector_store %arg2[%swap3A_180, %swap3A_181, %swap3A_182], %swap3A_185 {strides = array<i32>} : memref<8x4x20000xf32, #tpu.memory_space<vmem>>, vector<1x1x20000xf32>,
    %add3A_186 = arith.constant 1.600000e+01 : f32
    %add3A_187 = vector.broadcast %add3A_186 : f32 to vector<1x20000xf32>
    %add3A_188 = arith.addf %floor3A_171, %add3A_187 : vector<1x20000xf32>
    %swap3A_189 = arith.constant 3 : index
    %swap3A_190 = arith.constant 1 : index
    %swap3A_191 = arith.constant 0 : index
    %swap3A_192 = vector.load %arg2[%swap3A_189, %swap3A_190, %swap3A_191] : memref<8x4x20000xf32, #tpu.memory_space<vmem>>, vector<1x1x20000xf32>
    %swap3A_193 = vector.shape_cast %swap3A_192 : vector<1x1x20000xf32> to vector<1x20000xf32>
    %swap3A_194 = vector.shape_cast %add3A_188 : vector<1x20000xf32> to vector<1x1x20000xf32>
    tpu.vector_store %arg2[%swap3A_189, %swap3A_190, %swap3A_191], %swap3A_194 {strides = array<i32>} : memref<8x4x20000xf32, #tpu.memory_space<vmem>>, vector<1x1x20000xf32>,
    %sub3A_195 = arith.constant 1.600000e+01 : f32
    %sub3A_196 = vector.broadcast %sub3A_195 : f32 to vector<1x20000xf32>
    %sub3A_197 = arith.subf %floor3A_176, %sub3A_196 : vector<1x20000xf32>
    %swap3A_198 = arith.constant 3 : index
    %swap3A_199 = arith.constant 2 : index
    %swap3A_200 = arith.constant 0 : index
    %swap3A_201 = vector.load %arg2[%swap3A_198, %swap3A_199, %swap3A_200] : memref<8x4x20000xf32, #tpu.memory_space<vmem>>, vector<1x1x20000xf32>
    %swap3A_202 = vector.shape_cast %swap3A_201 : vector<1x1x20000xf32> to vector<1x20000xf32>
    %swap3A_203 = vector.shape_cast %sub3A_197 : vector<1x20000xf32> to vector<1x1x20000xf32>
    tpu.vector_store %arg2[%swap3A_198, %swap3A_199, %swap3A_200], %swap3A_203 {strides = array<i32>} : memref<8x4x20000xf32, #tpu.memory_space<vmem>>, vector<1x1x20000xf32>,
    %add3A_204 = arith.constant 1.600000e+01 : f32
    %add3A_205 = vector.broadcast %add3A_204 : f32 to vector<1x20000xf32>
    %add3A_206 = arith.addf %floor3A_176, %add3A_205 : vector<1x20000xf32>
    %swap3A_207 = arith.constant 3 : index
    %swap3A_208 = arith.constant 3 : index
    %swap3A_209 = arith.constant 0 : index
    %swap3A_210 = vector.load %arg2[%swap3A_207, %swap3A_208, %swap3A_209] : memref<8x4x20000xf32, #tpu.memory_space<vmem>>, vector<1x1x20000xf32>
    %swap3A_211 = vector.shape_cast %swap3A_210 : vector<1x1x20000xf32> to vector<1x20000xf32>
    %swap3A_212 = vector.shape_cast %add3A_206 : vector<1x20000xf32> to vector<1x1x20000xf32>
    tpu.vector_store %arg2[%swap3A_207, %swap3A_208, %swap3A_209], %swap3A_212 {strides = array<i32>} : memref<8x4x20000xf32, #tpu.memory_space<vmem>>, vector<1x1x20000xf32>,
    %get3A_213 = arith.constant 4 : index
    %get3A_214 = arith.constant 0 : index
    %get3A_215 = arith.constant 0 : index
    %get3A_216 = vector.load %arg1[%get3A_213, %get3A_214, %get3A_215] : memref<8x4x20000xf32, #tpu.memory_space<vmem>>, vector<1x4x20000xf32>
    %get3A_217 = vector.shape_cast %get3A_216 : vector<1x4x20000xf32> to vector<4x20000xf32>
    %slice3A_218 = vector.extract_strided_slice %get3A_217 {offsets = [0, 0], sizes = [1, 20000], strides = [1, 1]} : vector<4x20000xf32> to vector<1x20000xf32>
    %slice3A_219 = vector.extract_strided_slice %get3A_217 {offsets = [1, 0], sizes = [1, 20000], strides = [1, 1]} : vector<4x20000xf32> to vector<1x20000xf32>
    %slice3A_220 = vector.extract_strided_slice %get3A_217 {offsets = [2, 0], sizes = [1, 20000], strides = [1, 1]} : vector<4x20000xf32> to vector<1x20000xf32>
    %slice3A_221 = vector.extract_strided_slice %get3A_217 {offsets = [3, 0], sizes = [1, 20000], strides = [1, 1]} : vector<4x20000xf32> to vector<1x20000xf32>
    %add3A_222 = arith.addf %slice3A_218, %slice3A_219 : vector<1x20000xf32>
    %mul3A_223 = arith.constant 5.000000e-01 : f32
    %mul3A_224 = vector.broadcast %mul3A_223 : f32 to vector<1x20000xf32>
    %mul3A_225 = arith.mulf %add3A_222, %mul3A_224 : vector<1x20000xf32>
    %floor3A_226 = math.floor %mul3A_225 : vector<1x20000xf32>
    %add3A_227 = arith.addf %slice3A_220, %slice3A_221 : vector<1x20000xf32>
    %mul3A_228 = arith.constant 5.000000e-01 : f32
    %mul3A_229 = vector.broadcast %mul3A_228 : f32 to vector<1x20000xf32>
    %mul3A_230 = arith.mulf %add3A_227, %mul3A_229 : vector<1x20000xf32>
    %floor3A_231 = math.floor %mul3A_230 : vector<1x20000xf32>
    %sub3A_232 = arith.constant 1.600000e+01 : f32
    %sub3A_233 = vector.broadcast %sub3A_232 : f32 to vector<1x20000xf32>
    %sub3A_234 = arith.subf %floor3A_226, %sub3A_233 : vector<1x20000xf32>
    %swap3A_235 = arith.constant 4 : index
    %swap3A_236 = arith.constant 0 : index
    %swap3A_237 = arith.constant 0 : index
    %swap3A_238 = vector.load %arg2[%swap3A_235, %swap3A_236, %swap3A_237] : memref<8x4x20000xf32, #tpu.memory_space<vmem>>, vector<1x1x20000xf32>
    %swap3A_239 = vector.shape_cast %swap3A_238 : vector<1x1x20000xf32> to vector<1x20000xf32>
    %swap3A_240 = vector.shape_cast %sub3A_234 : vector<1x20000xf32> to vector<1x1x20000xf32>
    tpu.vector_store %arg2[%swap3A_235, %swap3A_236, %swap3A_237], %swap3A_240 {strides = array<i32>} : memref<8x4x20000xf32, #tpu.memory_space<vmem>>, vector<1x1x20000xf32>,
    %add3A_241 = arith.constant 1.600000e+01 : f32
    %add3A_242 = vector.broadcast %add3A_241 : f32 to vector<1x20000xf32>
    %add3A_243 = arith.addf %floor3A_226, %add3A_242 : vector<1x20000xf32>
    %swap3A_244 = arith.constant 4 : index
    %swap3A_245 = arith.constant 1 : index
    %swap3A_246 = arith.constant 0 : index
    %swap3A_247 = vector.load %arg2[%swap3A_244, %swap3A_245, %swap3A_246] : memref<8x4x20000xf32, #tpu.memory_space<vmem>>, vector<1x1x20000xf32>
    %swap3A_248 = vector.shape_cast %swap3A_247 : vector<1x1x20000xf32> to vector<1x20000xf32>
    %swap3A_249 = vector.shape_cast %add3A_243 : vector<1x20000xf32> to vector<1x1x20000xf32>
    tpu.vector_store %arg2[%swap3A_244, %swap3A_245, %swap3A_246], %swap3A_249 {strides = array<i32>} : memref<8x4x20000xf32, #tpu.memory_space<vmem>>, vector<1x1x20000xf32>,
    %sub3A_250 = arith.constant 1.600000e+01 : f32
    %sub3A_251 = vector.broadcast %sub3A_250 : f32 to vector<1x20000xf32>
    %sub3A_252 = arith.subf %floor3A_231, %sub3A_251 : vector<1x20000xf32>
    %swap3A_253 = arith.constant 4 : index
    %swap3A_254 = arith.constant 2 : index
    %swap3A_255 = arith.constant 0 : index
    %swap3A_256 = vector.load %arg2[%swap3A_253, %swap3A_254, %swap3A_255] : memref<8x4x20000xf32, #tpu.memory_space<vmem>>, vector<1x1x20000xf32>
    %swap3A_257 = vector.shape_cast %swap3A_256 : vector<1x1x20000xf32> to vector<1x20000xf32>
    %swap3A_258 = vector.shape_cast %sub3A_252 : vector<1x20000xf32> to vector<1x1x20000xf32>
    tpu.vector_store %arg2[%swap3A_253, %swap3A_254, %swap3A_255], %swap3A_258 {strides = array<i32>} : memref<8x4x20000xf32, #tpu.memory_space<vmem>>, vector<1x1x20000xf32>,
    %add3A_259 = arith.constant 1.600000e+01 : f32
    %add3A_260 = vector.broadcast %add3A_259 : f32 to vector<1x20000xf32>
    %add3A_261 = arith.addf %floor3A_231, %add3A_260 : vector<1x20000xf32>
    %swap3A_262 = arith.constant 4 : index
    %swap3A_263 = arith.constant 3 : index
    %swap3A_264 = arith.constant 0 : index
    %swap3A_265 = vector.load %arg2[%swap3A_262, %swap3A_263, %swap3A_264] : memref<8x4x20000xf32, #tpu.memory_space<vmem>>, vector<1x1x20000xf32>
    %swap3A_266 = vector.shape_cast %swap3A_265 : vector<1x1x20000xf32> to vector<1x20000xf32>
    %swap3A_267 = vector.shape_cast %add3A_261 : vector<1x20000xf32> to vector<1x1x20000xf32>
    tpu.vector_store %arg2[%swap3A_262, %swap3A_263, %swap3A_264], %swap3A_267 {strides = array<i32>} : memref<8x4x20000xf32, #tpu.memory_space<vmem>>, vector<1x1x20000xf32>,
    %get3A_268 = arith.constant 5 : index
    %get3A_269 = arith.constant 0 : index
    %get3A_270 = arith.constant 0 : index
    %get3A_271 = vector.load %arg1[%get3A_268, %get3A_269, %get3A_270] : memref<8x4x20000xf32, #tpu.memory_space<vmem>>, vector<1x4x20000xf32>
    %get3A_272 = vector.shape_cast %get3A_271 : vector<1x4x20000xf32> to vector<4x20000xf32>
    %slice3A_273 = vector.extract_strided_slice %get3A_272 {offsets = [0, 0], sizes = [1, 20000], strides = [1, 1]} : vector<4x20000xf32> to vector<1x20000xf32>
    %slice3A_274 = vector.extract_strided_slice %get3A_272 {offsets = [1, 0], sizes = [1, 20000], strides = [1, 1]} : vector<4x20000xf32> to vector<1x20000xf32>
    %slice3A_275 = vector.extract_strided_slice %get3A_272 {offsets = [2, 0], sizes = [1, 20000], strides = [1, 1]} : vector<4x20000xf32> to vector<1x20000xf32>
    %slice3A_276 = vector.extract_strided_slice %get3A_272 {offsets = [3, 0], sizes = [1, 20000], strides = [1, 1]} : vector<4x20000xf32> to vector<1x20000xf32>
    %add3A_277 = arith.addf %slice3A_273, %slice3A_274 : vector<1x20000xf32>
    %mul3A_278 = arith.constant 5.000000e-01 : f32
    %mul3A_279 = vector.broadcast %mul3A_278 : f32 to vector<1x20000xf32>
    %mul3A_280 = arith.mulf %add3A_277, %mul3A_279 : vector<1x20000xf32>
    %floor3A_281 = math.floor %mul3A_280 : vector<1x20000xf32>
    %add3A_282 = arith.addf %slice3A_275, %slice3A_276 : vector<1x20000xf32>
    %mul3A_283 = arith.constant 5.000000e-01 : f32
    %mul3A_284 = vector.broadcast %mul3A_283 : f32 to vector<1x20000xf32>
    %mul3A_285 = arith.mulf %add3A_282, %mul3A_284 : vector<1x20000xf32>
    %floor3A_286 = math.floor %mul3A_285 : vector<1x20000xf32>
    %sub3A_287 = arith.constant 1.600000e+01 : f32
    %sub3A_288 = vector.broadcast %sub3A_287 : f32 to vector<1x20000xf32>
    %sub3A_289 = arith.subf %floor3A_281, %sub3A_288 : vector<1x20000xf32>
    %swap3A_290 = arith.constant 5 : index
    %swap3A_291 = arith.constant 0 : index
    %swap3A_292 = arith.constant 0 : index
    %swap3A_293 = vector.load %arg2[%swap3A_290, %swap3A_291, %swap3A_292] : memref<8x4x20000xf32, #tpu.memory_space<vmem>>, vector<1x1x20000xf32>
    %swap3A_294 = vector.shape_cast %swap3A_293 : vector<1x1x20000xf32> to vector<1x20000xf32>
    %swap3A_295 = vector.shape_cast %sub3A_289 : vector<1x20000xf32> to vector<1x1x20000xf32>
    tpu.vector_store %arg2[%swap3A_290, %swap3A_291, %swap3A_292], %swap3A_295 {strides = array<i32>} : memref<8x4x20000xf32, #tpu.memory_space<vmem>>, vector<1x1x20000xf32>,
    %add3A_296 = arith.constant 1.600000e+01 : f32
    %add3A_297 = vector.broadcast %add3A_296 : f32 to vector<1x20000xf32>
    %add3A_298 = arith.addf %floor3A_281, %add3A_297 : vector<1x20000xf32>
    %swap3A_299 = arith.constant 5 : index
    %swap3A_300 = arith.constant 1 : index
    %swap3A_301 = arith.constant 0 : index
    %swap3A_302 = vector.load %arg2[%swap3A_299, %swap3A_300, %swap3A_301] : memref<8x4x20000xf32, #tpu.memory_space<vmem>>, vector<1x1x20000xf32>
    %swap3A_303 = vector.shape_cast %swap3A_302 : vector<1x1x20000xf32> to vector<1x20000xf32>
    %swap3A_304 = vector.shape_cast %add3A_298 : vector<1x20000xf32> to vector<1x1x20000xf32>
    tpu.vector_store %arg2[%swap3A_299, %swap3A_300, %swap3A_301], %swap3A_304 {strides = array<i32>} : memref<8x4x20000xf32, #tpu.memory_space<vmem>>, vector<1x1x20000xf32>,
    %sub3A_305 = arith.constant 1.600000e+01 : f32
    %sub3A_306 = vector.broadcast %sub3A_305 : f32 to vector<1x20000xf32>
    %sub3A_307 = arith.subf %floor3A_286, %sub3A_306 : vector<1x20000xf32>
    %swap3A_308 = arith.constant 5 : index
    %swap3A_309 = arith.constant 2 : index
    %swap3A_310 = arith.constant 0 : index
    %swap3A_311 = vector.load %arg2[%swap3A_308, %swap3A_309, %swap3A_310] : memref<8x4x20000xf32, #tpu.memory_space<vmem>>, vector<1x1x20000xf32>
    %swap3A_312 = vector.shape_cast %swap3A_311 : vector<1x1x20000xf32> to vector<1x20000xf32>
    %swap3A_313 = vector.shape_cast %sub3A_307 : vector<1x20000xf32> to vector<1x1x20000xf32>
    tpu.vector_store %arg2[%swap3A_308, %swap3A_309, %swap3A_310], %swap3A_313 {strides = array<i32>} : memref<8x4x20000xf32, #tpu.memory_space<vmem>>, vector<1x1x20000xf32>,
    %add3A_314 = arith.constant 1.600000e+01 : f32
    %add3A_315 = vector.broadcast %add3A_314 : f32 to vector<1x20000xf32>
    %add3A_316 = arith.addf %floor3A_286, %add3A_315 : vector<1x20000xf32>
    %swap3A_317 = arith.constant 5 : index
    %swap3A_318 = arith.constant 3 : index
    %swap3A_319 = arith.constant 0 : index
    %swap3A_320 = vector.load %arg2[%swap3A_317, %swap3A_318, %swap3A_319] : memref<8x4x20000xf32, #tpu.memory_space<vmem>>, vector<1x1x20000xf32>
    %swap3A_321 = vector.shape_cast %swap3A_320 : vector<1x1x20000xf32> to vector<1x20000xf32>
    %swap3A_322 = vector.shape_cast %add3A_316 : vector<1x20000xf32> to vector<1x1x20000xf32>
    tpu.vector_store %arg2[%swap3A_317, %swap3A_318, %swap3A_319], %swap3A_322 {strides = array<i32>} : memref<8x4x20000xf32, #tpu.memory_space<vmem>>, vector<1x1x20000xf32>,
    %get3A_323 = arith.constant 6 : index
    %get3A_324 = arith.constant 0 : index
    %get3A_325 = arith.constant 0 : index
    %get3A_326 = vector.load %arg1[%get3A_323, %get3A_324, %get3A_325] : memref<8x4x20000xf32, #tpu.memory_space<vmem>>, vector<1x4x20000xf32>
    %get3A_327 = vector.shape_cast %get3A_326 : vector<1x4x20000xf32> to vector<4x20000xf32>
    %slice3A_328 = vector.extract_strided_slice %get3A_327 {offsets = [0, 0], sizes = [1, 20000], strides = [1, 1]} : vector<4x20000xf32> to vector<1x20000xf32>
    %slice3A_329 = vector.extract_strided_slice %get3A_327 {offsets = [1, 0], sizes = [1, 20000], strides = [1, 1]} : vector<4x20000xf32> to vector<1x20000xf32>
    %slice3A_330 = vector.extract_strided_slice %get3A_327 {offsets = [2, 0], sizes = [1, 20000], strides = [1, 1]} : vector<4x20000xf32> to vector<1x20000xf32>
    %slice3A_331 = vector.extract_strided_slice %get3A_327 {offsets = [3, 0], sizes = [1, 20000], strides = [1, 1]} : vector<4x20000xf32> to vector<1x20000xf32>
    %add3A_332 = arith.addf %slice3A_328, %slice3A_329 : vector<1x20000xf32>
    %mul3A_333 = arith.constant 5.000000e-01 : f32
    %mul3A_334 = vector.broadcast %mul3A_333 : f32 to vector<1x20000xf32>
    %mul3A_335 = arith.mulf %add3A_332, %mul3A_334 : vector<1x20000xf32>
    %floor3A_336 = math.floor %mul3A_335 : vector<1x20000xf32>
    %add3A_337 = arith.addf %slice3A_330, %slice3A_331 : vector<1x20000xf32>
    %mul3A_338 = arith.constant 5.000000e-01 : f32
    %mul3A_339 = vector.broadcast %mul3A_338 : f32 to vector<1x20000xf32>
    %mul3A_340 = arith.mulf %add3A_337, %mul3A_339 : vector<1x20000xf32>
    %floor3A_341 = math.floor %mul3A_340 : vector<1x20000xf32>
    %sub3A_342 = arith.constant 1.600000e+01 : f32
    %sub3A_343 = vector.broadcast %sub3A_342 : f32 to vector<1x20000xf32>
    %sub3A_344 = arith.subf %floor3A_336, %sub3A_343 : vector<1x20000xf32>
    %swap3A_345 = arith.constant 6 : index
    %swap3A_346 = arith.constant 0 : index
    %swap3A_347 = arith.constant 0 : index
    %swap3A_348 = vector.load %arg2[%swap3A_345, %swap3A_346, %swap3A_347] : memref<8x4x20000xf32, #tpu.memory_space<vmem>>, vector<1x1x20000xf32>
    %swap3A_349 = vector.shape_cast %swap3A_348 : vector<1x1x20000xf32> to vector<1x20000xf32>
    %swap3A_350 = vector.shape_cast %sub3A_344 : vector<1x20000xf32> to vector<1x1x20000xf32>
    tpu.vector_store %arg2[%swap3A_345, %swap3A_346, %swap3A_347], %swap3A_350 {strides = array<i32>} : memref<8x4x20000xf32, #tpu.memory_space<vmem>>, vector<1x1x20000xf32>,
    %add3A_351 = arith.constant 1.600000e+01 : f32
    %add3A_352 = vector.broadcast %add3A_351 : f32 to vector<1x20000xf32>
    %add3A_353 = arith.addf %floor3A_336, %add3A_352 : vector<1x20000xf32>
    %swap3A_354 = arith.constant 6 : index
    %swap3A_355 = arith.constant 1 : index
    %swap3A_356 = arith.constant 0 : index
    %swap3A_357 = vector.load %arg2[%swap3A_354, %swap3A_355, %swap3A_356] : memref<8x4x20000xf32, #tpu.memory_space<vmem>>, vector<1x1x20000xf32>
    %swap3A_358 = vector.shape_cast %swap3A_357 : vector<1x1x20000xf32> to vector<1x20000xf32>
    %swap3A_359 = vector.shape_cast %add3A_353 : vector<1x20000xf32> to vector<1x1x20000xf32>
    tpu.vector_store %arg2[%swap3A_354, %swap3A_355, %swap3A_356], %swap3A_359 {strides = array<i32>} : memref<8x4x20000xf32, #tpu.memory_space<vmem>>, vector<1x1x20000xf32>,
    %sub3A_360 = arith.constant 1.600000e+01 : f32
    %sub3A_361 = vector.broadcast %sub3A_360 : f32 to vector<1x20000xf32>
    %sub3A_362 = arith.subf %floor3A_341, %sub3A_361 : vector<1x20000xf32>
    %swap3A_363 = arith.constant 6 : index
    %swap3A_364 = arith.constant 2 : index
    %swap3A_365 = arith.constant 0 : index
    %swap3A_366 = vector.load %arg2[%swap3A_363, %swap3A_364, %swap3A_365] : memref<8x4x20000xf32, #tpu.memory_space<vmem>>, vector<1x1x20000xf32>
    %swap3A_367 = vector.shape_cast %swap3A_366 : vector<1x1x20000xf32> to vector<1x20000xf32>
    %swap3A_368 = vector.shape_cast %sub3A_362 : vector<1x20000xf32> to vector<1x1x20000xf32>
    tpu.vector_store %arg2[%swap3A_363, %swap3A_364, %swap3A_365], %swap3A_368 {strides = array<i32>} : memref<8x4x20000xf32, #tpu.memory_space<vmem>>, vector<1x1x20000xf32>,
    %add3A_369 = arith.constant 1.600000e+01 : f32
    %add3A_370 = vector.broadcast %add3A_369 : f32 to vector<1x20000xf32>
    %add3A_371 = arith.addf %floor3A_341, %add3A_370 : vector<1x20000xf32>
    %swap3A_372 = arith.constant 6 : index
    %swap3A_373 = arith.constant 3 : index
    %swap3A_374 = arith.constant 0 : index
    %swap3A_375 = vector.load %arg2[%swap3A_372, %swap3A_373, %swap3A_374] : memref<8x4x20000xf32, #tpu.memory_space<vmem>>, vector<1x1x20000xf32>
    %swap3A_376 = vector.shape_cast %swap3A_375 : vector<1x1x20000xf32> to vector<1x20000xf32>
    %swap3A_377 = vector.shape_cast %add3A_371 : vector<1x20000xf32> to vector<1x1x20000xf32>
    tpu.vector_store %arg2[%swap3A_372, %swap3A_373, %swap3A_374], %swap3A_377 {strides = array<i32>} : memref<8x4x20000xf32, #tpu.memory_space<vmem>>, vector<1x1x20000xf32>,
    %get3A_378 = arith.constant 7 : index
    %get3A_379 = arith.constant 0 : index
    %get3A_380 = arith.constant 0 : index
    %get3A_381 = vector.load %arg1[%get3A_378, %get3A_379, %get3A_380] : memref<8x4x20000xf32, #tpu.memory_space<vmem>>, vector<1x4x20000xf32>
    %get3A_382 = vector.shape_cast %get3A_381 : vector<1x4x20000xf32> to vector<4x20000xf32>
    %slice3A_383 = vector.extract_strided_slice %get3A_382 {offsets = [0, 0], sizes = [1, 20000], strides = [1, 1]} : vector<4x20000xf32> to vector<1x20000xf32>
    %slice3A_384 = vector.extract_strided_slice %get3A_382 {offsets = [1, 0], sizes = [1, 20000], strides = [1, 1]} : vector<4x20000xf32> to vector<1x20000xf32>
    %slice3A_385 = vector.extract_strided_slice %get3A_382 {offsets = [2, 0], sizes = [1, 20000], strides = [1, 1]} : vector<4x20000xf32> to vector<1x20000xf32>
    %slice3A_386 = vector.extract_strided_slice %get3A_382 {offsets = [3, 0], sizes = [1, 20000], strides = [1, 1]} : vector<4x20000xf32> to vector<1x20000xf32>
    %add3A_387 = arith.addf %slice3A_383, %slice3A_384 : vector<1x20000xf32>
    %mul3A_388 = arith.constant 5.000000e-01 : f32
    %mul3A_389 = vector.broadcast %mul3A_388 : f32 to vector<1x20000xf32>
    %mul3A_390 = arith.mulf %add3A_387, %mul3A_389 : vector<1x20000xf32>
    %floor3A_391 = math.floor %mul3A_390 : vector<1x20000xf32>
    %add3A_392 = arith.addf %slice3A_385, %slice3A_386 : vector<1x20000xf32>
    %mul3A_393 = arith.constant 5.000000e-01 : f32
    %mul3A_394 = vector.broadcast %mul3A_393 : f32 to vector<1x20000xf32>
    %mul3A_395 = arith.mulf %add3A_392, %mul3A_394 : vector<1x20000xf32>
    %floor3A_396 = math.floor %mul3A_395 : vector<1x20000xf32>
    %sub3A_397 = arith.constant 1.600000e+01 : f32
    %sub3A_398 = vector.broadcast %sub3A_397 : f32 to vector<1x20000xf32>
    %sub3A_399 = arith.subf %floor3A_391, %sub3A_398 : vector<1x20000xf32>
    %swap3A_400 = arith.constant 7 : index
    %swap3A_401 = arith.constant 0 : index
    %swap3A_402 = arith.constant 0 : index
    %swap3A_403 = vector.load %arg2[%swap3A_400, %swap3A_401, %swap3A_402] : memref<8x4x20000xf32, #tpu.memory_space<vmem>>, vector<1x1x20000xf32>
    %swap3A_404 = vector.shape_cast %swap3A_403 : vector<1x1x20000xf32> to vector<1x20000xf32>
    %swap3A_405 = vector.shape_cast %sub3A_399 : vector<1x20000xf32> to vector<1x1x20000xf32>
    tpu.vector_store %arg2[%swap3A_400, %swap3A_401, %swap3A_402], %swap3A_405 {strides = array<i32>} : memref<8x4x20000xf32, #tpu.memory_space<vmem>>, vector<1x1x20000xf32>,
    %add3A_406 = arith.constant 1.600000e+01 : f32
    %add3A_407 = vector.broadcast %add3A_406 : f32 to vector<1x20000xf32>
    %add3A_408 = arith.addf %floor3A_391, %add3A_407 : vector<1x20000xf32>
    %swap3A_409 = arith.constant 7 : index
    %swap3A_410 = arith.constant 1 : index
    %swap3A_411 = arith.constant 0 : index
    %swap3A_412 = vector.load %arg2[%swap3A_409, %swap3A_410, %swap3A_411] : memref<8x4x20000xf32, #tpu.memory_space<vmem>>, vector<1x1x20000xf32>
    %swap3A_413 = vector.shape_cast %swap3A_412 : vector<1x1x20000xf32> to vector<1x20000xf32>
    %swap3A_414 = vector.shape_cast %add3A_408 : vector<1x20000xf32> to vector<1x1x20000xf32>
    tpu.vector_store %arg2[%swap3A_409, %swap3A_410, %swap3A_411], %swap3A_414 {strides = array<i32>} : memref<8x4x20000xf32, #tpu.memory_space<vmem>>, vector<1x1x20000xf32>,
    %sub3A_415 = arith.constant 1.600000e+01 : f32
    %sub3A_416 = vector.broadcast %sub3A_415 : f32 to vector<1x20000xf32>
    %sub3A_417 = arith.subf %floor3A_396, %sub3A_416 : vector<1x20000xf32>
    %swap3A_418 = arith.constant 7 : index
    %swap3A_419 = arith.constant 2 : index
    %swap3A_420 = arith.constant 0 : index
    %swap3A_421 = vector.load %arg2[%swap3A_418, %swap3A_419, %swap3A_420] : memref<8x4x20000xf32, #tpu.memory_space<vmem>>, vector<1x1x20000xf32>
    %swap3A_422 = vector.shape_cast %swap3A_421 : vector<1x1x20000xf32> to vector<1x20000xf32>
    %swap3A_423 = vector.shape_cast %sub3A_417 : vector<1x20000xf32> to vector<1x1x20000xf32>
    tpu.vector_store %arg2[%swap3A_418, %swap3A_419, %swap3A_420], %swap3A_423 {strides = array<i32>} : memref<8x4x20000xf32, #tpu.memory_space<vmem>>, vector<1x1x20000xf32>,
    %add3A_424 = arith.constant 1.600000e+01 : f32
    %add3A_425 = vector.broadcast %add3A_424 : f32 to vector<1x20000xf32>
    %add3A_426 = arith.addf %floor3A_396, %add3A_425 : vector<1x20000xf32>
    %swap3A_427 = arith.constant 7 : index
    %swap3A_428 = arith.constant 3 : index
    %swap3A_429 = arith.constant 0 : index
    %swap3A_430 = vector.load %arg2[%swap3A_427, %swap3A_428, %swap3A_429] : memref<8x4x20000xf32, #tpu.memory_space<vmem>>, vector<1x1x20000xf32>
    %swap3A_431 = vector.shape_cast %swap3A_430 : vector<1x1x20000xf32> to vector<1x20000xf32>
    %swap3A_432 = vector.shape_cast %add3A_426 : vector<1x20000xf32> to vector<1x1x20000xf32>
    tpu.vector_store %arg2[%swap3A_427, %swap3A_428, %swap3A_429], %swap3A_432 {strides = array<i32>} : memref<8x4x20000xf32, #tpu.memory_space<vmem>>, vector<1x1x20000xf32>,
    return
  }
  func.func @transform_0(%arg0: i32) -> (i32, i32, i32) {
    %c0_i32 = arith.constant 0 : i32
    %c0_i32_0 = arith.constant 0 : i32
    %c0_i32_1 = arith.constant 0 : i32
    return %arg0, %c0_i32, %c0_i32_0 : i32, i32, i32
  }
  func.func @transform_1(%arg0: i32) -> (i32, i32, i32) {
    %c0_i32 = arith.constant 0 : i32
    %c0_i32_0 = arith.constant 0 : i32
    %c0_i32_1 = arith.constant 0 : i32
    return %arg0, %c0_i32, %c0_i32_0 : i32, i32, i32
  }
}

</mosaic_0001>

<sc_bundles>
// kernel: kernel.4.cloned.1.call-start
scs
__scs_entry_jumppad:
0x0: {  	(pc) =	sbr.rel $0x88, $3  }
0x1: {  	(tag) =	ssettag $0x0;
	lr =	simm.s32 $0x1  }
0x2: {  	[smem:$0x3F9F] =	sst lr;
	_ =	strace $0xD0000000  }
0x3: {  	_ = 	snop  }
0x4: {  	_ = 	snop  }
0x5: {  	_ = 	snop  }
0x6: {  	_ = 	snop  }
0x7: {  	_ = 	snop  }
__scs_overlays_trampoline_lowered:
0x8: {  	[smem:$0x3FAE] =	sst s0  }
0x9: {  	[smem:$0x3FAF] =	sst s1  }
0xa: {  	[smem:$0x3FB0] =	sst s2  }
0xb: {  	[smem:$0x3FB1] =	sst s3  }
0xc: {  	[smem:$0x3FB2] =	sst s4  }
0xd: {  	[smem:$0x3FB3] =	sst s5  }
0xe: {  	[smem:$0x3FB4] =	sst s6  }
0xf: {  	[smem:$0x3FB5] =	sst s7  }
0x10: {  	[smem:$0x3FB6] =	sst s8  }
0x11: {  	[smem:$0x3FB7] =	sst s9;
	s0 =	simm.s32 @!p0 $0x0  }
0x12: {  	s1 =	sld [smem:$0x3F9D];
	s0 =	simm.s32 @p0 $0x1  }
0x13: {  	[smem:$0x3FB8] =	sst s0;
	s0 =	simm.s32 @!p1 $0x0  }
0x14: {  	s2 =	sld [smem:$0x3F9C];
	s0 =	simm.s32 @p1 $0x1  }
0x15: {  	[smem:$0x3FB9] =	sst s0;
	s0 =	simm.s32 @!p2 $0x0  }
0x16: {  	s3 =	sld [smem:$0x3FDB];
	s0 =	simm.s32 @p2 $0x1  }
0x17: {  	s4 =	simm.s32 $0x1BF5;
	[smem:$0x3FBB] =	sst s0  }
0x18: {  	s0 =	sld [smem:$0x3F9E];
	_ =	swait.ge [sflag:s4], $0x0  }
0x19: {  	s7 =	sld [smem:$0x3F9F]  }
0x1a: {  	s8 =	sadd.s32 $0xFFFFE003, lr  }
0x1b: {  	s9 =	sadd.s32 $0xFFFFFEF7, lr;
	s5 =	simm.s32 $0xFFFFFFFF;
	p2 =	slt.u32 s8, $0xFFFFF086  }
0x1c: {  	p1 =	slt.u32 s9, $0xF7A;
	s5 =	simm.s32 @!p2 $0x0  }
0x1d: {  	s5 =	simm.s32 @p1 $0x1;
	p0 =	seq.s32 s7, s2  }
0x1e: {  	s7 =	smul.u32 @!p0 $0xF7A, s2;
	p2 =	seq.s32 @!p0 s5, $0x0  }
0x1f: {  	s9 =	smul.u32 $0xF7A, s1;
	s8 =	simm.s32 @!p0 $0x1BF5;
	p2 =	por !p2, p0  }
0x20: {  	[sflag:s8] =	ssyncset.s32 @!p0 $0xFFFFF086;
	s6 =	sadd.s32 @!p0 s3, s7;
	s7 =	simm.s32 @!p0 $0x108  }
0x21: {  	s3 =	sadd.s32 s3, s9;
	s6 =	sadd.s32 @!p0 $0x88, s6;
	s7 =	simm.s32 @p2 $0x1082  }
0x22: {  	[simem:s7], [sflag:s8] =	dma.local @!p0 [hbm:s6], $0xF7A  }
0x23: {  	s9 =	sor.u32 $0xD0000000, s2;
	s6 =	simm.s32 $0x108;
	_ =	swait.ge @!p0 [sflag:s8], $0x0  }
0x24: {  	s3 =	sadd.s32 $0x88, s3;
	s6 =	simm.s32 @!p1 $0x1082;
	[sflag:s4] =	ssyncset.s32 $0xFFFFF086  }
0x25: {  	[simem:s6], [sflag:s4] =	dma.local [hbm:s3], $0xF7A  }
0x26: {  	[smem:$0x3F9F] =	sst s1;
	(tag) =	ssettag s2;
	_ =	strace s9  }
0x27: {  	s1 =	sld [smem:$0x3FAF]  }
0x28: {  	s2 =	sld [smem:$0x3FB0]  }
0x29: {  	s4 =	sld [smem:$0x3FB2]  }
0x2a: {  	p0 =	seq.s32 s5, $0x0;
	s5 =	sld [smem:$0x3FB3]  }
0x2b: {  	s6 =	sld [smem:$0x3FB4]  }
0x2c: {  	s7 =	sld [smem:$0x3FB5]  }
0x2d: {  	s3 =	simm.s32 $0x108;
	s8 =	sld [smem:$0x3FB6]  }
0x2e: {  	s3 =	simm.s32 @!p0 $0x1082;
	s9 =	sld [smem:$0x3FB7]  }
0x2f: {  	lr =	sadd.s32 s0, s3;
	s0 =	sld [smem:$0x3FAE]  }
0x30: {  	s3 =	sld [smem:$0x3FB1]  }
0x31: {  	[smem:$0x3FBA] =	sst s10  }
0x32: {  	s10 =	sld [smem:$0x3FB8];
	_ =	sdelay $0x3  }
0x33: {  	p0 =	seq.s32 s10, $0x1;
	s10 =	sld [smem:$0x3FBA];
	_ =	sdelay $0x3  }
0x34: {  	[smem:$0x3FBA] =	sst s10  }
0x35: {  	s10 =	sld [smem:$0x3FB9];
	_ =	sdelay $0x3  }
0x36: {  	p1 =	seq.s32 s10, $0x1;
	s10 =	sld [smem:$0x3FBA];
	_ =	sdelay $0x3  }
0x37: {  	[smem:$0x3FBA] =	sst s10  }
0x38: {  	s10 =	sld [smem:$0x3FBB]  }
0x39: {  	_ = 	snop;
	(pc) =	sbr.ind lr, $3  }
0x3a: {  	_ = 	snop  }
0x3b: {  	_ = 	snop  }
0x3c: {  	p2 =	seq.s32 s10, $0x1;
	s10 =	sld [smem:$0x3FBA]  }
0x3d: {  	_ =	shalt  }
0x3e: {  	_ =	shalt  }
0x3f: {  	_ =	shalt  }
0x40: {  	_ =	shalt  }
0x41: {  	_ =	shalt  }
0x42: {  	_ =	shalt  }
0x43: {  	_ =	shalt  }
0x44: {  	_ =	shalt  }
0x45: {  	_ =	shalt  }
0x46: {  	_ =	shalt  }
0x47: {  	_ =	shalt  }
0x48: {  	_ =	shalt  }
0x49: {  	_ =	shalt  }
0x4a: {  	_ =	shalt  }
0x4b: {  	_ =	shalt  }
0x4c: {  	_ =	shalt  }
0x4d: {  	_ =	shalt  }
0x4e: {  	_ =	shalt  }
0x4f: {  	_ =	shalt  }
0x50: {  	_ =	shalt  }
0x51: {  	_ =	shalt  }
0x52: {  	_ =	shalt  }
0x53: {  	_ =	shalt  }
0x54: {  	_ =	shalt  }
0x55: {  	_ =	shalt  }
0x56: {  	_ =	shalt  }
0x57: {  	_ =	shalt  }
0x58: {  	_ =	shalt  }
0x59: {  	_ =	shalt  }
0x5a: {  	_ =	shalt  }
0x5b: {  	_ =	shalt  }
0x5c: {  	_ =	shalt  }
0x5d: {  	_ =	shalt  }
0x5e: {  	_ =	shalt  }
0x5f: {  	_ =	shalt  }
0x60: {  	_ =	shalt  }
0x61: {  	_ =	shalt  }
0x62: {  	_ =	shalt  }
0x63: {  	_ =	shalt  }
0x64: {  	_ =	shalt  }
0x65: {  	_ =	shalt  }
0x66: {  	_ =	shalt  }
0x67: {  	_ =	shalt  }
0x68: {  	_ =	shalt  }
0x69: {  	_ =	shalt  }
0x6a: {  	_ =	shalt  }
0x6b: {  	_ =	shalt  }
0x6c: {  	_ =	shalt  }
0x6d: {  	_ =	shalt  }
0x6e: {  	_ =	shalt  }
0x6f: {  	_ =	shalt  }
0x70: {  	_ =	shalt  }
0x71: {  	_ =	shalt  }
0x72: {  	_ =	shalt  }
0x73: {  	_ =	shalt  }
0x74: {  	_ =	shalt  }
0x75: {  	_ =	shalt  }
0x76: {  	_ =	shalt  }
0x77: {  	_ =	shalt  }
0x78: {  	_ =	shalt  }
0x79: {  	_ =	shalt  }
0x7a: {  	_ =	shalt  }
0x7b: {  	_ =	shalt  }
0x7c: {  	_ =	shalt  }
0x7d: {  	_ =	shalt  }
0x7e: {  	_ =	shalt  }
0x7f: {  	_ =	shalt  }
0x80: {  	_ =	shalt  }
0x81: {  	_ =	shalt  }
0x82: {  	_ =	shalt  }
0x83: {  	_ =	shalt  }
0x84: {  	_ =	shalt  }
0x85: {  	_ =	shalt  }
0x86: {  	_ =	shalt  }
0x87: {  	_ =	shalt  }
.Lfunc_end0:
.L_simem_size_0:
called_computation_lowered:
.L_overlay_start_0:
0x88: {  	s2 =	sld [smem:$0x3FD9]  }
0x89: {  	s3 =	sld [smem:$0x3FFE];
	_ =	sdelay $0x1  }
0x8a: {  	s1 =	srdreg.scid  }
0x8b: {  	s0 =	sand.u32 $0x1, s1  }
0x8c: {  	s15 =	sshll.u32 s0, $0xA;
	s2 =	sadd.s32 s3, s2  }
0x8d: {  	s2 =	sadd.s32 s2, s15  }
0x8e: {  	[smem:$0x3FC6] =	sst s2  }
0x8f: {  	_ = 	snop  }
0x90: {  	s2 =	sld [smem:$0x3FD0];
	_ =	sdelay $0x2  }
0x91: {  	s4 =	simm.s32 $0xA;
	s5 =	simm.s32 $0x10;
	s16 =	sld [smem:$0x3FC8]  }
0x92: {  	[smem:s5], [sflag:s4] =	dma.local [hbm:s2], $0x1  }
0x93: {  	_ =	swait.eq [sflag:s4], $0x1  }
0x94: {  	[sflag:s4] =	ssyncset.done $0x0  }
0x95: {  	[sflag:s4] =	ssyncadd.s32 $0xFFFFFFFF  }
0x96: {  	s17 =	sld [smem:$0x11];
	(tm) =	ssettm $0x1  }
0x97: {  	s18 =	sld [smem:$0x3FFB];
	_ =	sdelay $0x3  }
0x98: {  	_ =	strace s18  }
0x99: {  	s4 =	sld [smem:$0x3FFC];
	_ =	sdelay $0x3  }
0x9a: {  	_ =	strace s4  }
0x9b: {  	s4 =	sld [smem:$0x3FFD];
	_ =	sdelay $0x3  }
0x9c: {  	_ =	strace s4  }
0x9d: {  	_ =	strace $0x8FFFFFFF  }
0x9e: {  	s19 =	sld [smem:$0x3FDB];
	_ =	sdelay $0x1  }
0x9f: {  	s20 =	simm.s32 $_scs_section_size  }
0xa0: {  	s6 =	simm.s32 $_size__tile_overlayer_lowered;
	s7 =	simm.s32 $_tile_overlayer_lowered  }
0xa1: {  	s23 =	simm.s32 $0x1BFF;
	s22 =	sshll.u32 s7, $0x1;
	s4 =	sadd.s32 s20, s19  }
0xa2: {  	s8 =	simm.s32 $0x0;
	s21 =	sshll.u32 s6, $0x1;
	s6 =	sadd.s32 s22, s4  }
0xa3: {  	[timem:s8], [sflag:s23] =	dma.local [hbm:s6], s21  }
0xa4: {  	_ =	swait.ge [sflag:s23], s21  }
0xa5: {  	s5 =	ssub.s32 $0x0, s21;
	[sflag:s23] =	ssyncset.done $0x0  }
0xa6: {  	[sflag:s23] =	ssyncadd.s32 s5;
	_ =	sdelay $0x1  }
0xa7: {  	s24 =	simm.s32 $0x1B8B  }
0xa8: {  	_ =	swait.ge [sflag:s24], $0x1  }
0xa9: {  	[sflag:s24] =	ssyncset.done $0x0  }
0xaa: {  	s25 =	simm.s32 $0x1B8E;
	[sflag:s24] =	ssyncadd.s32 $0xFFFFFFFF  }
0xab: {  	s26 =	simm.s32 $execute0_lowered;
	[smem:$0x3FD2] =	sst s25  }
0xac: {  	s5 =	sshll.u32 s26, $0x1;
	_ =	strace $0x80000046;
	[dreg:$0x1] =	wrdreg $0xFFFFFFFF  }
0xad: {  	s28 =	simm.s32 $_size_execute0_lowered;
	s4 =	sadd.s32 s4, s5;
	[dreg:$0x0] =	wrdreg $0x0  }
0xae: {  	s5 =	sshll.u32 s28, $0x1;
	[dreg:$0x2] =	wrdreg s4  }
0xaf: {  	[dreg:$0x3] =	wrdreg s5  }
0xb0: {  	[dreg:$0x4] =	wrdreg $0xC0  }
0xb1: {  	_ =	task [dreg:s8], $0x5FFFF  }
0xb2: {  	[dreg:$0x1] =	wrdreg $0xFFFFFFFF  }
0xb3: {  	[dreg:$0x0] =	wrdreg $0x60  }
0xb4: {  	[dreg:$0x2] =	wrdreg s16  }
0xb5: {  	[dreg:$0x3] =	wrdreg s17  }
0xb6: {  	[dreg:$0x4] =	wrdreg $0x9  }
0xb7: {  	_ =	task.clear_ibuf [dreg:s8], $0x5FFFF;
	_ =	strace $0x90000046  }
0xb8: {  	s29 =	simm.s32 $0x9;
	_ =	strace $0x80000048  }
0xb9: {  	_ =	swait.ge [sflag:s29], $0x1  }
0xba: {  	[sflag:s29] =	ssyncadd.s32 $0xFFFFFFFF  }
0xbb: {  	_ =	strace $0x90000048  }
0xbc: {  	_ =	sfence  }
0xbd: {  	s30 =	sld [smem:$0x0];
	_ =	sdelay $0x2  }
0xbe: {  	s31 =	sshll.u32 s1, $0xD;
	s1 =	sshrl.u32 s1, $0x2  }
0xbf: {  	s3 =	sand.u32 $0x4000, s31;
	s1 =	sadd.s32 s1, s30  }
0xc0: {  	s0 =	sor.u32 s3, s0;
	s1 =	sshll.u32 s1, $0x11  }
0xc1: {  	s0 =	sor.u32 s1, s0  }
0xc2: {  	s0 =	sadd.s32 $0x8F2B, s0  }
0xc3: {  	[sflag:s0] =	ssyncadd.remote.s32 $0x1  }
0xc4: {  	_ =	sfence.sel $0xFFFF  }
0xc5: {  	[dreg:$0x0] =	wrdreg $0xFFFFFFFF;
	(pc) =	sbr.abs _section_cstart, $3  }
0xc6: {  	[dreg:$0x1] =	wrdreg $0xFFFFFFFF  }
0xc7: {  	_ =	task.clear_ibuf [dreg:s8], $0x2FFFF;
	_ =	strace $0x9FFFFFFF  }
0xc8: {  	(tm) =	ssettm $0x7FFFFFFF  }
0xc9: {  	_ =	shalt  }
tec
execute0_lowered:
.L_overlay_start_1:
0x0: {  	(tag) =	ssettag $0x1  }
0x1: {  	s4 =	stileid.u32  }
0x2: {  	p0 =	sne.s32 s4, $0x0  }
.Ltmp0:
0x3: {  	_ = 	snop;
	(pc) =	sbr.rel @p0 .LBB2_4-.Ltmp0, $4  }
0x4: {  	s2 =	rddreg [dreg:$0x0]  }
0x5: {  	s1 =	rddreg [dreg:$0x1];
	s3 =	simm.s32 $0x0  }
0x6: {  	[smem:$0x7FF] =	sst s3  }
0x7: {  	s0 =	rddreg [dreg:$0x2];
	_ =	strace $0x80000047  }
0x8: {  	s3 =	srdreg.scid  }
0x9: {  	s3 =	sand.u32 $0x1, s3  }
0xa: {  	s4 =	ssub.s32 $0x2, s3  }
0xb: {  	s5 =	sshrl.u32 s4, $0x1  }
0xc: {  	s4 =	ssub.s32 s4, s5  }
0xd: {  	s3 =	smul.u32 $0x4E80, s3;
	s5 =	smax.u32 s4, $0x1  }
0xe: {  	p1 =	sne.s32 s5, $0x1  }
.Ltmp1:
0xf: {  	s1 =	sadd.s32 s1, s3;
	(pc) =	sbr.rel @!p1 .LBB2_3-.Ltmp1, $4  }
0x10: {  	s2 =	sadd.s32 s2, s3;
	s3 =	simm.s32 $0x1C01;
	s4 =	simm.s32 $0x1  }
0x11: {  	[hbm:s1], [sflag:s3] =	dma.local [hbm:s2], $0x4E80  }
0x12: {  	_ =	swait.ge [sflag:s4], $0x4E80  }
0x13: {  	s5 =	sadd.s32 $0xFFFFFFFF, s5;
	[sflag:s4] =	ssyncset.done $0x0  }
.LBB2_2:
0x14: {  	p1 =	sne.s32 s5, $0x1;
	s5 =	sadd.s32 $0xFFFFFFFF, s5;
	[sflag:s4] =	ssyncadd.s32 $0xFFFFB180  }
.Ltmp2:
0x15: {  	(pc) =	sbr.rel @p1 .LBB2_2-.Ltmp2, $4  }
0x16: {  	_ = 	snop  }
0x17: {  	[hbm:s1], [sflag:s3] =	dma.local [hbm:s2], $0x4E80  }
0x18: {  	_ =	swait.ge [sflag:s4], $0x4E80  }
0x19: {  	[sflag:s4] =	ssyncset.done $0x0  }
.LBB2_3:
0x1a: {  	[sflag:s4] =	ssyncadd.s32 $0xFFFFB180  }
.LBB2_4:
0x1b: {  	_ =	sfence.sel $0x180000  }
0x1c: {  	[bflag:$0x0] =	sbarrier.arrive $0xFFFF  }
0x1d: {  	_ =	strace $0x90000047  }
0x1e: {  	s0 =	sadd.s32 @!p0 $0x100000, s0;
	[bflag:$0x2] =	sbarrier.arrive $0xFFFF  }
0x1f: {  	[sflag:s0] =	ssyncadd.tile.s32 @!p0 $0x1;
	_ =	shalt  }
.Lfunc_end2:
_tile_overlayer_lowered:
.L_overlay_start_2:
0x20: {  	(tag) =	ssettag $0x2  }
0x21: {  	s0 =	rddreg [dreg:$0x0];
	s2 =	stileid.u32  }
0x22: {  	s1 =	rddreg [dreg:$0x1];
	p0 =	sne.s32 s2, $0x0  }
0x23: {  	s3 =	rddreg [dreg:$0x2];
	[bflag:$0x3] =	sbarrier.arrive $0xFFFF;
	s2 =	simm.s32 @!p0 $0x1C01  }
0x24: {  	[timem:s3], [sflag:s2] =	dma.local @!p0 [hbm:s0], s1  }
0x25: {  	s0 =	simm.s32 @!p0 $0x1  }
0x26: {  	_ =	swait.ge @!p0 [sflag:s0], s1  }
0x27: {  	s1 =	ssub.s32 @!p0 $0x0, s1;
	[sflag:s0] =	ssyncset.done @!p0 $0x0  }
0x28: {  	[sflag:s0] =	ssyncadd.s32 @!p0 s1  }
0x29: {  	[bflag:$0x3] =	sbarrier.arrive $0xFFFF  }
0x2a: {  	_ =	shalt  }

</sc_bundles>
